<compile_context>
chip_gen: v7x
topology: tpu7x:2x2x1
jax: 0.10.2.dev20260603
libtpu: 0.0.44.dev20260713+nightly
codegen_flags: <defaults>
</compile_context>

<pallas_src>
import functools

import jax
import jax.numpy as jnp
from jax import lax
from jax.experimental import pallas as pl
from jax.experimental.pallas import tpu as pltpu
from jax.experimental.pallas import tpu_sc as plsc

VOCAB = 100000
DIM = 128
BATCH = 16384

_info = plsc.get_sparse_core_info()
_NC = _info.num_cores
_NS = _info.num_subcores
_L = _info.num_lanes
_NW = _NC * _NS
_BPW = BATCH // _NW
_PCH = _BPW // 2


def _body(idx_hbm, table_hbm, prompt_hbm, out_hbm, idx_v, rows_v, prompt_v,
          gsem, wsem):
    wid = lax.axis_index("c") * _NS + lax.axis_index("s")
    base = wid * _BPW

    pltpu.sync_copy(idx_hbm.at[pl.ds(base, _BPW)], idx_v)
    half = _BPW // 2
    g0 = pltpu.async_copy(
        table_hbm.at[idx_v.at[pl.ds(0, half)]],
        rows_v.at[pl.ds(0, half)], gsem)
    g1 = pltpu.async_copy(
        table_hbm.at[idx_v.at[pl.ds(half, half)]],
        rows_v.at[pl.ds(half, half)], gsem)

    pltpu.sync_copy(prompt_hbm, prompt_v.at[pl.ds(0, 1)])
    pvecs = [prompt_v[0, pl.ds(j * _L, _L)] for j in range(DIM // _L)]

    def fill_row(i, carry):
        for j in range(DIM // _L):
            prompt_v[i, pl.ds(j * _L, _L)] = pvecs[j]
        return carry

    lax.fori_loop(1, _PCH, fill_row, 0)

    w0 = pltpu.async_copy(
        prompt_v, out_hbm.at[pl.ds(base, _PCH), pl.ds(0, DIM)], wsem)
    w1 = pltpu.async_copy(
        prompt_v, out_hbm.at[pl.ds(base + _PCH, _PCH), pl.ds(0, DIM)], wsem)

    g0.wait()
    g1.wait()
    w2 = pltpu.async_copy(
        rows_v, out_hbm.at[pl.ds(base, _BPW), pl.ds(DIM, DIM)], wsem)
    w0.wait()
    w1.wait()
    w2.wait()


@jax.jit
def _run(token_ids, table, prompt):
    mesh = plsc.VectorSubcoreMesh(core_axis_name="c", subcore_axis_name="s")
    f = functools.partial(
        pl.kernel,
        mesh=mesh,
        out_type=jax.ShapeDtypeStruct((BATCH, 2 * DIM), jnp.float32),
        scratch_types=[
            pltpu.VMEM((_BPW,), jnp.int32),
            pltpu.VMEM((_BPW, DIM), jnp.float32),
            pltpu.VMEM((_PCH, DIM), jnp.float32),
            pltpu.SemaphoreType.DMA,
            pltpu.SemaphoreType.DMA,
        ],
    )(_body)
    return f(token_ids, table, prompt)


def kernel(token_ids, table, prompt):
    return _run(token_ids.astype(jnp.int32), table, prompt)

# --- scband reference (transcript-rebuilt; emitter-appended) ---
"""Pipeline reference for scband-prompt-module-23862838296710 (READ-ONLY COPY).

The authoritative reference and input builder live on the scoring server;
editing this copy changes nothing except your own understanding.
"""

import jax, jax.numpy as jnp
import numpy as np

VOCAB = 100000
DIM = 128
BATCH = 16384


def setup_inputs(seed: int = 0) -> dict:
    key = jax.random.key(seed)
    k1, k2, k3 = jax.random.split(key, 3)
    token_ids = jax.random.randint(k1, (BATCH,), 0, VOCAB, dtype=jnp.int64)
    # Learned parameters: embedding table (the `embed` base module) and the prompt vector.
    table = jax.random.normal(k2, (VOCAB, DIM), dtype=jnp.float32)
    prompt = jax.random.uniform(k3, (1, DIM), dtype=jnp.float32, minval=-0.1, maxval=0.1)
    return {"token_ids": token_ids, "table": table, "prompt": prompt}


def reference(token_ids, table, prompt):
    # input_embeddings = self.base(token_ids)  -> gather rows from embedding table
    input_embeddings = jnp.take(table, token_ids, axis=0)  # [B, DIM]
    # expanded_prompts = self.prompt.repeat(B, 1)
    expanded_prompts = jnp.tile(prompt, (token_ids.shape[0], 1))  # [B, DIM]
    # torch.cat([expanded_prompts, input_embeddings], 1)
    return jnp.concatenate([expanded_prompts, input_embeddings], axis=1)  # [B, 2*DIM]

if __name__ == "__main__":
    import jax
    _d = setup_inputs()
    print(jax.jit(kernel)(*tuple(_d.values())))

</pallas_src>

<mosaic_0001>
#map = affine_map<(d0, d1) -> (0)>
#map1 = affine_map<(d0, d1) -> (0, 0)>
module attributes {stable_mosaic.version = 14 : i64} {
  func.func @_body(%arg0: i32, %arg1: i32, %arg2: memref<16384xi32, #tpu.memory_space<hbm>>, %arg3: memref<100000x128xf32, #tpu.memory_space<hbm>>, %arg4: memref<1x128xf32, #tpu.memory_space<hbm>>, %arg5: memref<16384x256xf32, #tpu.memory_space<hbm>>, %arg6: memref<512xi32, #tpu.memory_space<vmem>>, %arg7: memref<512x128xf32, #tpu.memory_space<vmem>>, %arg8: memref<256x128xf32, #tpu.memory_space<vmem>>, %arg9: memref<!tpu.dma_semaphore, #tpu.memory_space<semaphore_mem>>, %arg10: memref<!tpu.dma_semaphore, #tpu.memory_space<semaphore_mem>>) attributes {dimension_semantics = [#tpu.dimension_semantics<core_parallel>, #tpu.dimension_semantics<subcore_parallel>], iteration_bounds = array<i64: 2, 16>, scalar_prefetch = 0 : i64, scratch_operands = 5 : i64, tpu.core_type = #tpu.core_type<sc_vector_subcore>, window_params = [{transform_indices = #map}, {transform_indices = #map1}, {transform_indices = #map1}, {transform_indices = #map1}]} {
    %mul3A = arith.constant 16 : i32
    %mul3A_0 = arith.muli %arg0, %mul3A : i32
    %add3A = arith.addi %mul3A_0, %arg1 : i32
    %mul3A_1 = arith.constant 512 : i32
    %mul3A_2 = arith.muli %add3A, %mul3A_1 : i32
    "tpu.region"() ({
      %run_scoped3A = tpu.sem_alloc : memref<!tpu.dma_semaphore, #tpu.memory_space<semaphore_mem>>
      %dma_start3A_103 = tpu.memref_slice %arg2[%mul3A_2] : memref<16384xi32, #tpu.memory_space<hbm>> -> memref<512xi32, #tpu.memory_space<hbm>>
      %dma_start3A_104 = tpu.memref_slice %arg2[%mul3A_2] : memref<16384xi32, #tpu.memory_space<hbm>> -> memref<512xi32, #tpu.memory_space<hbm>>
      tpu.enqueue_dma source(%dma_start3A_104 : memref<512xi32, #tpu.memory_space<hbm>>) target(%arg6 : memref<512xi32, #tpu.memory_space<vmem>>) target_semaphore(%run_scoped3A : memref<!tpu.dma_semaphore, #tpu.memory_space<semaphore_mem>>)
      %dma_wait3A_105 = tpu.memref_slice %arg2[%mul3A_2] : memref<16384xi32, #tpu.memory_space<hbm>> -> memref<512xi32, #tpu.memory_space<hbm>>
      %dma_wait3A_106 = tpu.memref_slice %arg2[%mul3A_2] : memref<16384xi32, #tpu.memory_space<hbm>> -> memref<512xi32, #tpu.memory_space<hbm>>
      tpu.wait_dma2 semaphore(%run_scoped3A : memref<!tpu.dma_semaphore, #tpu.memory_space<semaphore_mem>>) src(%dma_wait3A_106 : memref<512xi32, #tpu.memory_space<hbm>>) dst(%arg6 : memref<512xi32, #tpu.memory_space<vmem>>)
      tpu.yield
    }) : () -> ()
    %dma_start3A = arith.constant 0 : i32
    %dma_start3A_3 = arith.constant 0 : i32
    %dma_start3A_4 = tpu.memref_slice %arg7[%dma_start3A, %dma_start3A_3] : memref<512x128xf32, #tpu.memory_space<vmem>> -> memref<256x128xf32, #tpu.memory_space<vmem>>
    %dma_start3A_5 = arith.constant 0 : i32
    %dma_start3A_6 = tpu.memref_slice %arg6[%dma_start3A_5] : memref<512xi32, #tpu.memory_space<vmem>> -> memref<256xi32, #tpu.memory_space<vmem>>
    %dma_start3A_7 = arith.constant 0 : i32
    %dma_start3A_8 = arith.constant 0 : i32
    %dma_start3A_9 = tpu.memref_slice %arg3[%dma_start3A_7, %dma_start3A_8] : memref<100000x128xf32, #tpu.memory_space<hbm>> -> memref<100000x128xf32, #tpu.memory_space<hbm>>
    tpu.enqueue_indirect_dma source(%dma_start3A_9 : memref<100000x128xf32, #tpu.memory_space<hbm>>) target(%dma_start3A_4 : memref<256x128xf32, #tpu.memory_space<vmem>>) offsets(%dma_start3A_6 : memref<256xi32, #tpu.memory_space<vmem>>) semaphore(%arg9 : memref<!tpu.dma_semaphore, #tpu.memory_space<semaphore_mem>>)
    %dma_start3A_10 = arith.constant 256 : i32
    %dma_start3A_11 = arith.constant 0 : i32
    %dma_start3A_12 = tpu.memref_slice %arg7[%dma_start3A_10, %dma_start3A_11] : memref<512x128xf32, #tpu.memory_space<vmem>> -> memref<256x128xf32, #tpu.memory_space<vmem>>
    %dma_start3A_13 = arith.constant 256 : i32
    %dma_start3A_14 = tpu.memref_slice %arg6[%dma_start3A_13] : memref<512xi32, #tpu.memory_space<vmem>> -> memref<256xi32, #tpu.memory_space<vmem>>
    %dma_start3A_15 = arith.constant 0 : i32
    %dma_start3A_16 = arith.constant 0 : i32
    %dma_start3A_17 = tpu.memref_slice %arg3[%dma_start3A_15, %dma_start3A_16] : memref<100000x128xf32, #tpu.memory_space<hbm>> -> memref<100000x128xf32, #tpu.memory_space<hbm>>
    tpu.enqueue_indirect_dma source(%dma_start3A_17 : memref<100000x128xf32, #tpu.memory_space<hbm>>) target(%dma_start3A_12 : memref<256x128xf32, #tpu.memory_space<vmem>>) offsets(%dma_start3A_14 : memref<256xi32, #tpu.memory_space<vmem>>) semaphore(%arg9 : memref<!tpu.dma_semaphore, #tpu.memory_space<semaphore_mem>>)
    "tpu.region"() ({
      %run_scoped3A = tpu.sem_alloc : memref<!tpu.dma_semaphore, #tpu.memory_space<semaphore_mem>>
      %dma_start3A_103 = arith.constant 0 : i32
      %dma_start3A_104 = arith.constant 0 : i32
      %dma_start3A_105 = tpu.memref_slice %arg8[%dma_start3A_103, %dma_start3A_104] : memref<256x128xf32, #tpu.memory_space<vmem>> -> memref<1x128xf32, #tpu.memory_space<vmem>>
      %dma_start3A_106 = arith.constant 0 : i32
      %dma_start3A_107 = arith.constant 0 : i32
      %dma_start3A_108 = tpu.memref_slice %arg8[%dma_start3A_106, %dma_start3A_107] : memref<256x128xf32, #tpu.memory_space<vmem>> -> memref<1x128xf32, #tpu.memory_space<vmem>>
      tpu.enqueue_dma source(%arg4 : memref<1x128xf32, #tpu.memory_space<hbm>>) target(%dma_start3A_108 : memref<1x128xf32, #tpu.memory_space<vmem>>) target_semaphore(%run_scoped3A : memref<!tpu.dma_semaphore, #tpu.memory_space<semaphore_mem>>)
      %dma_wait3A_109 = arith.constant 0 : i32
      %dma_wait3A_110 = arith.constant 0 : i32
      %dma_wait3A_111 = tpu.memref_slice %arg8[%dma_wait3A_109, %dma_wait3A_110] : memref<256x128xf32, #tpu.memory_space<vmem>> -> memref<1x128xf32, #tpu.memory_space<vmem>>
      %dma_wait3A_112 = arith.constant 0 : i32
      %dma_wait3A_113 = arith.constant 0 : i32
      %dma_wait3A_114 = tpu.memref_slice %arg8[%dma_wait3A_112, %dma_wait3A_113] : memref<256x128xf32, #tpu.memory_space<vmem>> -> memref<1x128xf32, #tpu.memory_space<vmem>>
      tpu.wait_dma2 semaphore(%run_scoped3A : memref<!tpu.dma_semaphore, #tpu.memory_space<semaphore_mem>>) src(%arg4 : memref<1x128xf32, #tpu.memory_space<hbm>>) dst(%dma_wait3A_114 : memref<1x128xf32, #tpu.memory_space<vmem>>)
      tpu.yield
    }) : () -> ()
    %get3A = arith.constant 0 : i32
    %get3A_18 = arith.index_cast %get3A : i32 to index
    %get3A_19 = arith.constant 0 : index
    %get3A_20 = tpu.vector_load %arg8[%get3A_18, %get3A_19] {strides = array<i32>} : memref<256x128xf32, #tpu.memory_space<vmem>>, vector<1x16xf32>,
    %get3A_21 = vector.shape_cast %get3A_20 : vector<1x16xf32> to vector<16xf32>
    %get3A_22 = arith.constant 0 : i32
    %get3A_23 = arith.index_cast %get3A_22 : i32 to index
    %get3A_24 = arith.constant 16 : index
    %get3A_25 = tpu.vector_load %arg8[%get3A_23, %get3A_24] {strides = array<i32>} : memref<256x128xf32, #tpu.memory_space<vmem>>, vector<1x16xf32>,
    %get3A_26 = vector.shape_cast %get3A_25 : vector<1x16xf32> to vector<16xf32>
    %get3A_27 = arith.constant 0 : i32
    %get3A_28 = arith.index_cast %get3A_27 : i32 to index
    %get3A_29 = arith.constant 32 : index
    %get3A_30 = tpu.vector_load %arg8[%get3A_28, %get3A_29] {strides = array<i32>} : memref<256x128xf32, #tpu.memory_space<vmem>>, vector<1x16xf32>,
    %get3A_31 = vector.shape_cast %get3A_30 : vector<1x16xf32> to vector<16xf32>
    %get3A_32 = arith.constant 0 : i32
    %get3A_33 = arith.index_cast %get3A_32 : i32 to index
    %get3A_34 = arith.constant 48 : index
    %get3A_35 = tpu.vector_load %arg8[%get3A_33, %get3A_34] {strides = array<i32>} : memref<256x128xf32, #tpu.memory_space<vmem>>, vector<1x16xf32>,
    %get3A_36 = vector.shape_cast %get3A_35 : vector<1x16xf32> to vector<16xf32>
    %get3A_37 = arith.constant 0 : i32
    %get3A_38 = arith.index_cast %get3A_37 : i32 to index
    %get3A_39 = arith.constant 64 : index
    %get3A_40 = tpu.vector_load %arg8[%get3A_38, %get3A_39] {strides = array<i32>} : memref<256x128xf32, #tpu.memory_space<vmem>>, vector<1x16xf32>,
    %get3A_41 = vector.shape_cast %get3A_40 : vector<1x16xf32> to vector<16xf32>
    %get3A_42 = arith.constant 0 : i32
    %get3A_43 = arith.index_cast %get3A_42 : i32 to index
    %get3A_44 = arith.constant 80 : index
    %get3A_45 = tpu.vector_load %arg8[%get3A_43, %get3A_44] {strides = array<i32>} : memref<256x128xf32, #tpu.memory_space<vmem>>, vector<1x16xf32>,
    %get3A_46 = vector.shape_cast %get3A_45 : vector<1x16xf32> to vector<16xf32>
    %get3A_47 = arith.constant 0 : i32
    %get3A_48 = arith.index_cast %get3A_47 : i32 to index
    %get3A_49 = arith.constant 96 : index
    %get3A_50 = tpu.vector_load %arg8[%get3A_48, %get3A_49] {strides = array<i32>} : memref<256x128xf32, #tpu.memory_space<vmem>>, vector<1x16xf32>,
    %get3A_51 = vector.shape_cast %get3A_50 : vector<1x16xf32> to vector<16xf32>
    %get3A_52 = arith.constant 0 : i32
    %get3A_53 = arith.index_cast %get3A_52 : i32 to index
    %get3A_54 = arith.constant 112 : index
    %get3A_55 = tpu.vector_load %arg8[%get3A_53, %get3A_54] {strides = array<i32>} : memref<256x128xf32, #tpu.memory_space<vmem>>, vector<1x16xf32>,
    %get3A_56 = vector.shape_cast %get3A_55 : vector<1x16xf32> to vector<16xf32>
    %scan3A = arith.constant 0 : i32
    %scan3A_57 = arith.constant 1 : i32
    %scan3A_58 = arith.constant 255 : i32
    %scan3A_59 = arith.addi %scan3A_57, %scan3A_58 : i32
    %scan3A_60 = arith.constant 1 : i32
    scf.for %scan3A_103 = %scan3A_57 to %scan3A_59 step %scan3A_60  : i32 {
      %swap3A = arith.index_cast %scan3A_103 : i32 to index
      %swap3A_104 = arith.constant 0 : index
      %swap3A_105 = tpu.vector_load %arg8[%swap3A, %swap3A_104] {strides = array<i32>} : memref<256x128xf32, #tpu.memory_space<vmem>>, vector<1x16xf32>,
      %swap3A_106 = vector.shape_cast %swap3A_105 : vector<1x16xf32> to vector<16xf32>
      %swap3A_107 = vector.shape_cast %get3A_21 : vector<16xf32> to vector<1x16xf32>
      tpu.vector_store %arg8[%swap3A, %swap3A_104], %swap3A_107 {strides = array<i32>} : memref<256x128xf32, #tpu.memory_space<vmem>>, vector<1x16xf32>,
      %swap3A_108 = arith.index_cast %scan3A_103 : i32 to index
      %swap3A_109 = arith.constant 16 : index
      %swap3A_110 = tpu.vector_load %arg8[%swap3A_108, %swap3A_109] {strides = array<i32>} : memref<256x128xf32, #tpu.memory_space<vmem>>, vector<1x16xf32>,
      %swap3A_111 = vector.shape_cast %swap3A_110 : vector<1x16xf32> to vector<16xf32>
      %swap3A_112 = vector.shape_cast %get3A_26 : vector<16xf32> to vector<1x16xf32>
      tpu.vector_store %arg8[%swap3A_108, %swap3A_109], %swap3A_112 {strides = array<i32>} : memref<256x128xf32, #tpu.memory_space<vmem>>, vector<1x16xf32>,
      %swap3A_113 = arith.index_cast %scan3A_103 : i32 to index
      %swap3A_114 = arith.constant 32 : index
      %swap3A_115 = tpu.vector_load %arg8[%swap3A_113, %swap3A_114] {strides = array<i32>} : memref<256x128xf32, #tpu.memory_space<vmem>>, vector<1x16xf32>,
      %swap3A_116 = vector.shape_cast %swap3A_115 : vector<1x16xf32> to vector<16xf32>
      %swap3A_117 = vector.shape_cast %get3A_31 : vector<16xf32> to vector<1x16xf32>
      tpu.vector_store %arg8[%swap3A_113, %swap3A_114], %swap3A_117 {strides = array<i32>} : memref<256x128xf32, #tpu.memory_space<vmem>>, vector<1x16xf32>,
      %swap3A_118 = arith.index_cast %scan3A_103 : i32 to index
      %swap3A_119 = arith.constant 48 : index
      %swap3A_120 = tpu.vector_load %arg8[%swap3A_118, %swap3A_119] {strides = array<i32>} : memref<256x128xf32, #tpu.memory_space<vmem>>, vector<1x16xf32>,
      %swap3A_121 = vector.shape_cast %swap3A_120 : vector<1x16xf32> to vector<16xf32>
      %swap3A_122 = vector.shape_cast %get3A_36 : vector<16xf32> to vector<1x16xf32>
      tpu.vector_store %arg8[%swap3A_118, %swap3A_119], %swap3A_122 {strides = array<i32>} : memref<256x128xf32, #tpu.memory_space<vmem>>, vector<1x16xf32>,
      %swap3A_123 = arith.index_cast %scan3A_103 : i32 to index
      %swap3A_124 = arith.constant 64 : index
      %swap3A_125 = tpu.vector_load %arg8[%swap3A_123, %swap3A_124] {strides = array<i32>} : memref<256x128xf32, #tpu.memory_space<vmem>>, vector<1x16xf32>,
      %swap3A_126 = vector.shape_cast %swap3A_125 : vector<1x16xf32> to vector<16xf32>
      %swap3A_127 = vector.shape_cast %get3A_41 : vector<16xf32> to vector<1x16xf32>
      tpu.vector_store %arg8[%swap3A_123, %swap3A_124], %swap3A_127 {strides = array<i32>} : memref<256x128xf32, #tpu.memory_space<vmem>>, vector<1x16xf32>,
      %swap3A_128 = arith.index_cast %scan3A_103 : i32 to index
      %swap3A_129 = arith.constant 80 : index
      %swap3A_130 = tpu.vector_load %arg8[%swap3A_128, %swap3A_129] {strides = array<i32>} : memref<256x128xf32, #tpu.memory_space<vmem>>, vector<1x16xf32>,
      %swap3A_131 = vector.shape_cast %swap3A_130 : vector<1x16xf32> to vector<16xf32>
      %swap3A_132 = vector.shape_cast %get3A_46 : vector<16xf32> to vector<1x16xf32>
      tpu.vector_store %arg8[%swap3A_128, %swap3A_129], %swap3A_132 {strides = array<i32>} : memref<256x128xf32, #tpu.memory_space<vmem>>, vector<1x16xf32>,
      %swap3A_133 = arith.index_cast %scan3A_103 : i32 to index
      %swap3A_134 = arith.constant 96 : index
      %swap3A_135 = tpu.vector_load %arg8[%swap3A_133, %swap3A_134] {strides = array<i32>} : memref<256x128xf32, #tpu.memory_space<vmem>>, vector<1x16xf32>,
      %swap3A_136 = vector.shape_cast %swap3A_135 : vector<1x16xf32> to vector<16xf32>
      %swap3A_137 = vector.shape_cast %get3A_51 : vector<16xf32> to vector<1x16xf32>
      tpu.vector_store %arg8[%swap3A_133, %swap3A_134], %swap3A_137 {strides = array<i32>} : memref<256x128xf32, #tpu.memory_space<vmem>>, vector<1x16xf32>,
      %swap3A_138 = arith.index_cast %scan3A_103 : i32 to index
      %swap3A_139 = arith.constant 112 : index
      %swap3A_140 = tpu.vector_load %arg8[%swap3A_138, %swap3A_139] {strides = array<i32>} : memref<256x128xf32, #tpu.memory_space<vmem>>, vector<1x16xf32>,
      %swap3A_141 = vector.shape_cast %swap3A_140 : vector<1x16xf32> to vector<16xf32>
      %swap3A_142 = vector.shape_cast %get3A_56 : vector<16xf32> to vector<1x16xf32>
      tpu.vector_store %arg8[%swap3A_138, %swap3A_139], %swap3A_142 {strides = array<i32>} : memref<256x128xf32, #tpu.memory_space<vmem>>, vector<1x16xf32>,
    }
    %scan3A_61 = arith.constant 255 : i32
    %dma_start3A_62 = arith.constant 0 : i32
    %dma_start3A_63 = tpu.memref_slice %arg5[%mul3A_2, %dma_start3A_62] : memref<16384x256xf32, #tpu.memory_space<hbm>> -> memref<256x128xf32, #tpu.memory_space<hbm>>
    %dma_start3A_64 = arith.constant 0 : i32
    %dma_start3A_65 = tpu.memref_slice %arg5[%mul3A_2, %dma_start3A_64] : memref<16384x256xf32, #tpu.memory_space<hbm>> -> memref<256x128xf32, #tpu.memory_space<hbm>>
    tpu.enqueue_dma source(%arg8 : memref<256x128xf32, #tpu.memory_space<vmem>>) target(%dma_start3A_65 : memref<256x128xf32, #tpu.memory_space<hbm>>) target_semaphore(%arg10 : memref<!tpu.dma_semaphore, #tpu.memory_space<semaphore_mem>>)
    %add3A_66 = arith.constant 256 : i32
    %add3A_67 = arith.addi %mul3A_2, %add3A_66 : i32
    %dma_start3A_68 = arith.constant 0 : i32
    %dma_start3A_69 = tpu.memref_slice %arg5[%add3A_67, %dma_start3A_68] : memref<16384x256xf32, #tpu.memory_space<hbm>> -> memref<256x128xf32, #tpu.memory_space<hbm>>
    %dma_start3A_70 = arith.constant 0 : i32
    %dma_start3A_71 = tpu.memref_slice %arg5[%add3A_67, %dma_start3A_70] : memref<16384x256xf32, #tpu.memory_space<hbm>> -> memref<256x128xf32, #tpu.memory_space<hbm>>
    tpu.enqueue_dma source(%arg8 : memref<256x128xf32, #tpu.memory_space<vmem>>) target(%dma_start3A_71 : memref<256x128xf32, #tpu.memory_space<hbm>>) target_semaphore(%arg10 : memref<!tpu.dma_semaphore, #tpu.memory_space<semaphore_mem>>)
    %dma_wait3A = arith.constant 0 : i32
    %dma_wait3A_72 = arith.constant 0 : i32
    %dma_wait3A_73 = tpu.memref_slice %arg7[%dma_wait3A, %dma_wait3A_72] : memref<512x128xf32, #tpu.memory_space<vmem>> -> memref<256x128xf32, #tpu.memory_space<vmem>>
    %dma_wait3A_74 = arith.constant 0 : i32
    %dma_wait3A_75 = tpu.memref_slice %arg6[%dma_wait3A_74] : memref<512xi32, #tpu.memory_space<vmem>> -> memref<256xi32, #tpu.memory_space<vmem>>
    %dma_wait3A_76 = arith.constant 0 : i32
    %dma_wait3A_77 = arith.constant 0 : i32
    %dma_wait3A_78 = tpu.memref_slice %arg3[%dma_wait3A_76, %dma_wait3A_77] : memref<100000x128xf32, #tpu.memory_space<hbm>> -> memref<100000x128xf32, #tpu.memory_space<hbm>>
    tpu.wait_indirect_dma semaphore(%arg9 : memref<!tpu.dma_semaphore, #tpu.memory_space<semaphore_mem>>) src(%dma_wait3A_78 : memref<100000x128xf32, #tpu.memory_space<hbm>>) dst(%dma_wait3A_73 : memref<256x128xf32, #tpu.memory_space<vmem>>)
    %dma_wait3A_79 = arith.constant 256 : i32
    %dma_wait3A_80 = arith.constant 0 : i32
    %dma_wait3A_81 = tpu.memref_slice %arg7[%dma_wait3A_79, %dma_wait3A_80] : memref<512x128xf32, #tpu.memory_space<vmem>> -> memref<256x128xf32, #tpu.memory_space<vmem>>
    %dma_wait3A_82 = arith.constant 256 : i32
    %dma_wait3A_83 = tpu.memref_slice %arg6[%dma_wait3A_82] : memref<512xi32, #tpu.memory_space<vmem>> -> memref<256xi32, #tpu.memory_space<vmem>>
    %dma_wait3A_84 = arith.constant 0 : i32
    %dma_wait3A_85 = arith.constant 0 : i32
    %dma_wait3A_86 = tpu.memref_slice %arg3[%dma_wait3A_84, %dma_wait3A_85] : memref<100000x128xf32, #tpu.memory_space<hbm>> -> memref<100000x128xf32, #tpu.memory_space<hbm>>
    tpu.wait_indirect_dma semaphore(%arg9 : memref<!tpu.dma_semaphore, #tpu.memory_space<semaphore_mem>>) src(%dma_wait3A_86 : memref<100000x128xf32, #tpu.memory_space<hbm>>) dst(%dma_wait3A_81 : memref<256x128xf32, #tpu.memory_space<vmem>>)
    %dma_start3A_87 = arith.constant 128 : i32
    %dma_start3A_88 = tpu.memref_slice %arg5[%mul3A_2, %dma_start3A_87] : memref<16384x256xf32, #tpu.memory_space<hbm>> -> memref<512x128xf32, #tpu.memory_space<hbm>>
    %dma_start3A_89 = arith.constant 128 : i32
    %dma_start3A_90 = tpu.memref_slice %arg5[%mul3A_2, %dma_start3A_89] : memref<16384x256xf32, #tpu.memory_space<hbm>> -> memref<512x128xf32, #tpu.memory_space<hbm>>
    tpu.enqueue_dma source(%arg7 : memref<512x128xf32, #tpu.memory_space<vmem>>) target(%dma_start3A_90 : memref<512x128xf32, #tpu.memory_space<hbm>>) target_semaphore(%arg10 : memref<!tpu.dma_semaphore, #tpu.memory_space<semaphore_mem>>)
    %dma_wait3A_91 = arith.constant 0 : i32
    %dma_wait3A_92 = tpu.memref_slice %arg5[%mul3A_2, %dma_wait3A_91] : memref<16384x256xf32, #tpu.memory_space<hbm>> -> memref<256x128xf32, #tpu.memory_space<hbm>>
    %dma_wait3A_93 = arith.constant 0 : i32
    %dma_wait3A_94 = tpu.memref_slice %arg5[%mul3A_2, %dma_wait3A_93] : memref<16384x256xf32, #tpu.memory_space<hbm>> -> memref<256x128xf32, #tpu.memory_space<hbm>>
    tpu.wait_dma2 semaphore(%arg10 : memref<!tpu.dma_semaphore, #tpu.memory_space<semaphore_mem>>) src(%arg8 : memref<256x128xf32, #tpu.memory_space<vmem>>) dst(%dma_wait3A_94 : memref<256x128xf32, #tpu.memory_space<hbm>>)
    %dma_wait3A_95 = arith.constant 0 : i32
    %dma_wait3A_96 = tpu.memref_slice %arg5[%add3A_67, %dma_wait3A_95] : memref<16384x256xf32, #tpu.memory_space<hbm>> -> memref<256x128xf32, #tpu.memory_space<hbm>>
    %dma_wait3A_97 = arith.constant 0 : i32
    %dma_wait3A_98 = tpu.memref_slice %arg5[%add3A_67, %dma_wait3A_97] : memref<16384x256xf32, #tpu.memory_space<hbm>> -> memref<256x128xf32, #tpu.memory_space<hbm>>
    tpu.wait_dma2 semaphore(%arg10 : memref<!tpu.dma_semaphore, #tpu.memory_space<semaphore_mem>>) src(%arg8 : memref<256x128xf32, #tpu.memory_space<vmem>>) dst(%dma_wait3A_98 : memref<256x128xf32, #tpu.memory_space<hbm>>)
    %dma_wait3A_99 = arith.constant 128 : i32
    %dma_wait3A_100 = tpu.memref_slice %arg5[%mul3A_2, %dma_wait3A_99] : memref<16384x256xf32, #tpu.memory_space<hbm>> -> memref<512x128xf32, #tpu.memory_space<hbm>>
    %dma_wait3A_101 = arith.constant 128 : i32
    %dma_wait3A_102 = tpu.memref_slice %arg5[%mul3A_2, %dma_wait3A_101] : memref<16384x256xf32, #tpu.memory_space<hbm>> -> memref<512x128xf32, #tpu.memory_space<hbm>>
    tpu.wait_dma2 semaphore(%arg10 : memref<!tpu.dma_semaphore, #tpu.memory_space<semaphore_mem>>) src(%arg7 : memref<512x128xf32, #tpu.memory_space<vmem>>) dst(%dma_wait3A_102 : memref<512x128xf32, #tpu.memory_space<hbm>>)
    return
  }
}

</mosaic_0001>

<sc_bundles>
// kernel: _run.3.cloned.1.call-start
scs
__scs_entry_jumppad:
0x0: {  	(pc) =	sbr.rel $0x88, $3  }
0x1: {  	(tag) =	ssettag $0x0;
	lr =	simm.s32 $0x1  }
0x2: {  	[smem:$0x3F9E] =	sst lr;
	_ =	strace $0xD0000000  }
0x3: {  	_ = 	snop  }
0x4: {  	_ = 	snop  }
0x5: {  	_ = 	snop  }
0x6: {  	_ = 	snop  }
0x7: {  	_ = 	snop  }
__scs_overlays_trampoline_lowered:
0x8: {  	[smem:$0x3FAD] =	sst s0  }
0x9: {  	[smem:$0x3FAE] =	sst s1  }
0xa: {  	[smem:$0x3FAF] =	sst s2  }
0xb: {  	[smem:$0x3FB0] =	sst s3  }
0xc: {  	[smem:$0x3FB1] =	sst s4  }
0xd: {  	[smem:$0x3FB2] =	sst s5  }
0xe: {  	[smem:$0x3FB3] =	sst s6  }
0xf: {  	[smem:$0x3FB4] =	sst s7  }
0x10: {  	[smem:$0x3FB5] =	sst s8  }
0x11: {  	[smem:$0x3FB6] =	sst s9;
	s0 =	simm.s32 @!p0 $0x0  }
0x12: {  	s1 =	sld [smem:$0x3F9C];
	s0 =	simm.s32 @p0 $0x1  }
0x13: {  	[smem:$0x3FB7] =	sst s0;
	s0 =	simm.s32 @!p1 $0x0  }
0x14: {  	s2 =	sld [smem:$0x3F9B];
	s0 =	simm.s32 @p1 $0x1  }
0x15: {  	[smem:$0x3FB8] =	sst s0;
	s0 =	simm.s32 @!p2 $0x0  }
0x16: {  	s3 =	sld [smem:$0x3FDB];
	s0 =	simm.s32 @p2 $0x1  }
0x17: {  	s4 =	simm.s32 $0x1BF5;
	[smem:$0x3FBA] =	sst s0  }
0x18: {  	s0 =	sld [smem:$0x3F9D];
	_ =	swait.ge [sflag:s4], $0x0  }
0x19: {  	s7 =	sld [smem:$0x3F9E]  }
0x1a: {  	s8 =	sadd.s32 $0xFFFFE003, lr  }
0x1b: {  	s9 =	sadd.s32 $0xFFFFFEF7, lr;
	s5 =	simm.s32 $0xFFFFFFFF;
	p2 =	slt.u32 s8, $0xFFFFF086  }
0x1c: {  	p1 =	slt.u32 s9, $0xF7A;
	s5 =	simm.s32 @!p2 $0x0  }
0x1d: {  	s5 =	simm.s32 @p1 $0x1;
	p0 =	seq.s32 s7, s2  }
0x1e: {  	s7 =	smul.u32 @!p0 $0xF7A, s2;
	p2 =	seq.s32 @!p0 s5, $0x0  }
0x1f: {  	s9 =	smul.u32 $0xF7A, s1;
	s8 =	simm.s32 @!p0 $0x1BF5;
	p2 =	por !p2, p0  }
0x20: {  	[sflag:s8] =	ssyncset.s32 @!p0 $0xFFFFF086;
	s6 =	sadd.s32 @!p0 s3, s7;
	s7 =	simm.s32 @!p0 $0x108  }
0x21: {  	s3 =	sadd.s32 s3, s9;
	s6 =	sadd.s32 @!p0 $0x88, s6;
	s7 =	simm.s32 @p2 $0x1082  }
0x22: {  	[simem:s7], [sflag:s8] =	dma.local @!p0 [hbm:s6], $0xF7A  }
0x23: {  	s9 =	sor.u32 $0xD0000000, s2;
	s6 =	simm.s32 $0x108;
	_ =	swait.ge @!p0 [sflag:s8], $0x0  }
0x24: {  	s3 =	sadd.s32 $0x88, s3;
	s6 =	simm.s32 @!p1 $0x1082;
	[sflag:s4] =	ssyncset.s32 $0xFFFFF086  }
0x25: {  	[simem:s6], [sflag:s4] =	dma.local [hbm:s3], $0xF7A  }
0x26: {  	[smem:$0x3F9E] =	sst s1;
	(tag) =	ssettag s2;
	_ =	strace s9  }
0x27: {  	s1 =	sld [smem:$0x3FAE]  }
0x28: {  	s2 =	sld [smem:$0x3FAF]  }
0x29: {  	s4 =	sld [smem:$0x3FB1]  }
0x2a: {  	p0 =	seq.s32 s5, $0x0;
	s5 =	sld [smem:$0x3FB2]  }
0x2b: {  	s6 =	sld [smem:$0x3FB3]  }
0x2c: {  	s7 =	sld [smem:$0x3FB4]  }
0x2d: {  	s3 =	simm.s32 $0x108;
	s8 =	sld [smem:$0x3FB5]  }
0x2e: {  	s3 =	simm.s32 @!p0 $0x1082;
	s9 =	sld [smem:$0x3FB6]  }
0x2f: {  	lr =	sadd.s32 s0, s3;
	s0 =	sld [smem:$0x3FAD]  }
0x30: {  	s3 =	sld [smem:$0x3FB0]  }
0x31: {  	[smem:$0x3FB9] =	sst s10  }
0x32: {  	s10 =	sld [smem:$0x3FB7];
	_ =	sdelay $0x3  }
0x33: {  	p0 =	seq.s32 s10, $0x1;
	s10 =	sld [smem:$0x3FB9];
	_ =	sdelay $0x3  }
0x34: {  	[smem:$0x3FB9] =	sst s10  }
0x35: {  	s10 =	sld [smem:$0x3FB8];
	_ =	sdelay $0x3  }
0x36: {  	p1 =	seq.s32 s10, $0x1;
	s10 =	sld [smem:$0x3FB9];
	_ =	sdelay $0x3  }
0x37: {  	[smem:$0x3FB9] =	sst s10  }
0x38: {  	s10 =	sld [smem:$0x3FBA]  }
0x39: {  	_ = 	snop;
	(pc) =	sbr.ind lr, $3  }
0x3a: {  	_ = 	snop  }
0x3b: {  	_ = 	snop  }
0x3c: {  	p2 =	seq.s32 s10, $0x1;
	s10 =	sld [smem:$0x3FB9]  }
0x3d: {  	_ =	shalt  }
0x3e: {  	_ =	shalt  }
0x3f: {  	_ =	shalt  }
0x40: {  	_ =	shalt  }
0x41: {  	_ =	shalt  }
0x42: {  	_ =	shalt  }
0x43: {  	_ =	shalt  }
0x44: {  	_ =	shalt  }
0x45: {  	_ =	shalt  }
0x46: {  	_ =	shalt  }
0x47: {  	_ =	shalt  }
0x48: {  	_ =	shalt  }
0x49: {  	_ =	shalt  }
0x4a: {  	_ =	shalt  }
0x4b: {  	_ =	shalt  }
0x4c: {  	_ =	shalt  }
0x4d: {  	_ =	shalt  }
0x4e: {  	_ =	shalt  }
0x4f: {  	_ =	shalt  }
0x50: {  	_ =	shalt  }
0x51: {  	_ =	shalt  }
0x52: {  	_ =	shalt  }
0x53: {  	_ =	shalt  }
0x54: {  	_ =	shalt  }
0x55: {  	_ =	shalt  }
0x56: {  	_ =	shalt  }
0x57: {  	_ =	shalt  }
0x58: {  	_ =	shalt  }
0x59: {  	_ =	shalt  }
0x5a: {  	_ =	shalt  }
0x5b: {  	_ =	shalt  }
0x5c: {  	_ =	shalt  }
0x5d: {  	_ =	shalt  }
0x5e: {  	_ =	shalt  }
0x5f: {  	_ =	shalt  }
0x60: {  	_ =	shalt  }
0x61: {  	_ =	shalt  }
0x62: {  	_ =	shalt  }
0x63: {  	_ =	shalt  }
0x64: {  	_ =	shalt  }
0x65: {  	_ =	shalt  }
0x66: {  	_ =	shalt  }
0x67: {  	_ =	shalt  }
0x68: {  	_ =	shalt  }
0x69: {  	_ =	shalt  }
0x6a: {  	_ =	shalt  }
0x6b: {  	_ =	shalt  }
0x6c: {  	_ =	shalt  }
0x6d: {  	_ =	shalt  }
0x6e: {  	_ =	shalt  }
0x6f: {  	_ =	shalt  }
0x70: {  	_ =	shalt  }
0x71: {  	_ =	shalt  }
0x72: {  	_ =	shalt  }
0x73: {  	_ =	shalt  }
0x74: {  	_ =	shalt  }
0x75: {  	_ =	shalt  }
0x76: {  	_ =	shalt  }
0x77: {  	_ =	shalt  }
0x78: {  	_ =	shalt  }
0x79: {  	_ =	shalt  }
0x7a: {  	_ =	shalt  }
0x7b: {  	_ =	shalt  }
0x7c: {  	_ =	shalt  }
0x7d: {  	_ =	shalt  }
0x7e: {  	_ =	shalt  }
0x7f: {  	_ =	shalt  }
0x80: {  	_ =	shalt  }
0x81: {  	_ =	shalt  }
0x82: {  	_ =	shalt  }
0x83: {  	_ =	shalt  }
0x84: {  	_ =	shalt  }
0x85: {  	_ =	shalt  }
0x86: {  	_ =	shalt  }
0x87: {  	_ =	shalt  }
.Lfunc_end0:
.L_simem_size_0:
called_computation_lowered:
.L_overlay_start_0:
0x88: {  	s2 =	sld [smem:$0x3FD9]  }
0x89: {  	s3 =	sld [smem:$0x3FFE];
	_ =	sdelay $0x1  }
0x8a: {  	s1 =	srdreg.scid  }
0x8b: {  	s0 =	sand.u32 $0x1, s1  }
0x8c: {  	s18 =	sshll.u32 s0, $0xA;
	s2 =	sadd.s32 s3, s2  }
0x8d: {  	s2 =	sadd.s32 s2, s18  }
0x8e: {  	[smem:$0x3FC5] =	sst s2  }
0x8f: {  	_ = 	snop  }
0x90: {  	s2 =	sld [smem:$0x3FC9]  }
0x91: {  	s19 =	sld [smem:$0x3FC8]  }
0x92: {  	s4 =	sld [smem:$0x3FC7]  }
0x93: {  	s5 =	sld [smem:$0x3FD0];
	(tm) =	ssettm $0x1  }
0x94: {  	s6 =	sld [smem:$0x3FFB];
	_ =	sdelay $0x3  }
0x95: {  	_ =	strace s6  }
0x96: {  	s6 =	sld [smem:$0x3FFC];
	_ =	sdelay $0x3  }
0x97: {  	_ =	strace s6  }
0x98: {  	s6 =	sld [smem:$0x3FFD];
	_ =	sdelay $0x3  }
0x99: {  	_ =	strace s6  }
0x9a: {  	_ =	strace $0x8FFFFFFF  }
0x9b: {  	s20 =	sld [smem:$0x3FDB];
	_ =	sdelay $0x1  }
0x9c: {  	s7 =	simm.s32 $_scs_section_size  }
0x9d: {  	s8 =	simm.s32 $_size__tile_overlayer_lowered;
	s9 =	simm.s32 $_tile_overlayer_lowered  }
0x9e: {  	s23 =	simm.s32 $0x1BFF;
	s22 =	sshll.u32 s9, $0x1;
	s6 =	sadd.s32 s7, s20  }
0x9f: {  	s10 =	simm.s32 $0x0;
	s21 =	sshll.u32 s8, $0x1;
	s8 =	sadd.s32 s22, s6  }
0xa0: {  	[timem:s10], [sflag:s23] =	dma.local [hbm:s8], s21  }
0xa1: {  	_ =	swait.ge [sflag:s23], s21  }
0xa2: {  	s7 =	ssub.s32 $0x0, s21;
	[sflag:s23] =	ssyncset.done $0x0  }
0xa3: {  	[sflag:s23] =	ssyncadd.s32 s7;
	_ =	sdelay $0x1  }
0xa4: {  	s24 =	simm.s32 $0x1B8B  }
0xa5: {  	_ =	swait.ge [sflag:s24], $0x1  }
0xa6: {  	[sflag:s24] =	ssyncset.done $0x0  }
0xa7: {  	s25 =	simm.s32 $0x1B8E;
	[sflag:s24] =	ssyncadd.s32 $0xFFFFFFFF  }
0xa8: {  	s26 =	simm.s32 $execute0_lowered;
	[smem:$0x3FD2] =	sst s25  }
0xa9: {  	s7 =	sshll.u32 s26, $0x1;
	_ =	strace $0x80000046;
	[dreg:$0x1] =	wrdreg $0xFFFFFFFF  }
0xaa: {  	s28 =	simm.s32 $_size_execute0_lowered;
	s6 =	sadd.s32 s6, s7;
	[dreg:$0x0] =	wrdreg $0x0  }
0xab: {  	s7 =	sshll.u32 s28, $0x1;
	[dreg:$0x2] =	wrdreg s6  }
0xac: {  	[dreg:$0x3] =	wrdreg s7  }
0xad: {  	[dreg:$0x4] =	wrdreg $0xC0  }
0xae: {  	_ =	task [dreg:s10], $0x5FFFF  }
0xaf: {  	[dreg:$0x1] =	wrdreg $0xFFFFFFFF  }
0xb0: {  	[dreg:$0x0] =	wrdreg $0x60  }
0xb1: {  	[dreg:$0x2] =	wrdreg s2  }
0xb2: {  	[dreg:$0x3] =	wrdreg s19  }
0xb3: {  	[dreg:$0x4] =	wrdreg s4  }
0xb4: {  	[dreg:$0x5] =	wrdreg s5  }
0xb5: {  	[dreg:$0x6] =	wrdreg $0x9  }
0xb6: {  	_ =	task.clear_ibuf [dreg:s10], $0x7FFFF;
	_ =	strace $0x90000046  }
0xb7: {  	s29 =	simm.s32 $0x9;
	_ =	strace $0x80000048  }
0xb8: {  	_ =	swait.ge [sflag:s29], $0x1  }
0xb9: {  	[sflag:s29] =	ssyncadd.s32 $0xFFFFFFFF  }
0xba: {  	_ =	strace $0x90000048  }
0xbb: {  	_ =	sfence  }
0xbc: {  	s30 =	sld [smem:$0x0];
	_ =	sdelay $0x2  }
0xbd: {  	s31 =	sshll.u32 s1, $0xD;
	s1 =	sshrl.u32 s1, $0x2  }
0xbe: {  	s3 =	sand.u32 $0x4000, s31;
	s1 =	sadd.s32 s1, s30  }
0xbf: {  	s0 =	sor.u32 s3, s0;
	s1 =	sshll.u32 s1, $0x11  }
0xc0: {  	s0 =	sor.u32 s1, s0  }
0xc1: {  	s0 =	sadd.s32 $0x8F2B, s0  }
0xc2: {  	[sflag:s0] =	ssyncadd.remote.s32 $0x1  }
0xc3: {  	_ =	sfence.sel $0xFFFF  }
0xc4: {  	[dreg:$0x0] =	wrdreg $0xFFFFFFFF;
	(pc) =	sbr.abs _section_cstart, $3  }
0xc5: {  	[dreg:$0x1] =	wrdreg $0xFFFFFFFF  }
0xc6: {  	_ =	task.clear_ibuf [dreg:s10], $0x2FFFF;
	_ =	strace $0x9FFFFFFF  }
0xc7: {  	(tm) =	ssettm $0x7FFFFFFF  }
tec
execute0_lowered:
.L_overlay_start_1:
0x0: {  	(tag) =	ssettag $0x1  }
0x1: {  	s6 =	rddreg [dreg:$0x0]  }
0x2: {  	s1 =	rddreg [dreg:$0x1]  }
0x3: {  	s3 =	rddreg [dreg:$0x2]  }
0x4: {  	s5 =	rddreg [dreg:$0x3];
	s4 =	srdreg.scid  }
0x5: {  	s0 =	rddreg [dreg:$0x4];
	s2 =	stileid.u32  }
0x6: {  	s11 =	simm.s32 $0x100;
	s12 =	simm.s32 $0x200;
	s13 =	simm.s32 $0x8200  }
0x7: {  	s14 =	simm.s32 $0x10200;
	s15 =	simm.s32 $0x400;
	s16 =	simm.s32 $0x800  }
0x8: {  	s17 =	simm.s32 $0x1;
	s18 =	simm.s32 $0x2;
	s19 =	simm.s32 $0x0  }
0x9: {  	s7 =	sand.u32 $0x1, s4;
	s4 =	simm.s32 $0x0;
	s9 =	sshll.u32 s2, $0x9  }
0xa: {  	s8 =	sshll.u32 s7, $0xD;
	[smem:$0x7FF] =	sst s4;
	s7 =	ssub.s32 $0x2, s7  }
0xb: {  	s8 =	sor.u32 s9, s8;
	_ =	strace $0x80000047;
	s10 =	sshrl.u32 s7, $0x1  }
0xc: {  	s9 =	sshll.u32 s8, $0x5;
	s8 =	sshrl.u32 s8, $0x3;
	s31 =	ssub.s32 s7, s10  }
0xd: {  	s10 =	simm.s32 $0x3;
	s5 =	sadd.s32 s5, s9;
	s6 =	sadd.s32 s6, s8  }
0xe: {  	s9 =	smax.u32 s31, $0x1;
	s7 =	sadd.s32 $0x2000, s5;
	s8 =	sadd.s32 $0x80, s5  }
.LBB2_1:
0xf: {  	[tilespmem:s4], [sflag:$0x3] =	stream.linear.gather [hbm4b:s6+s4], $0x200, $0x38;
	[tilespmem:$0x18200] =	vst v63  }
0x10: {  	_ =	swait.ge [sflag:s10], $0x200  }
0x11: {  	[sflag:s10] =	ssyncset.done $0x0  }
0x12: {  	[sflag:s10] =	ssyncadd.s32 $0xFFFFFE00  }
0x13: {  	[tilespmem:s12], [sflag:$0x1] =	stream.indirect.gather [hbm4b:s1+s11], $0x80, s4, s11, $0xb8;
	[tilespmem:$0x18200] =	vst v63  }
0x14: {  	_ = 	snop  }
0x15: {  	[tilespmem:s13], [sflag:$0x1] =	stream.indirect.gather [hbm4b:s1+s11], $0x80, s11, s11, $0xb8;
	[tilespmem:$0x18200] =	vst v63  }
0x16: {  	_ = 	snop  }
0x17: {  	[tilespmem:s14], [sflag:$0x3] =	stream.linear.gather [hbm4b:s3+s4], $0x80, $0x38;
	[tilespmem:$0x18200] =	vst v63  }
0x18: {  	_ =	swait.ge [sflag:s10], $0x80  }
0x19: {  	[sflag:s10] =	ssyncset.done $0x0  }
0x1a: {  	[sflag:s10] =	ssyncadd.s32 $0xFFFFFF80  }
0x1b: {  	v0 =	vld [tilespmem:$0x10200]  }
0x1c: {  	v1 =	vld [tilespmem:$0x10210]  }
0x1d: {  	v2 =	vld [tilespmem:$0x10220]  }
0x1e: {  	v7 =	vld [tilespmem:$0x10270]  }
0x1f: {  	v3 =	vld [tilespmem:$0x10230]  }
0x20: {  	v4 =	vld [tilespmem:$0x10240]  }
0x21: {  	v5 =	vld [tilespmem:$0x10250]  }
0x22: {  	s20 =	simm.s32 $0x0;
	s21 =	simm.s32 $0x200;
	v6 =	vld [tilespmem:$0x10260]  }
.LBB2_2:
0x23: {  	p0 =	sne.s32 s21, $0x1FC00;
	[tilespmem:s20+$0x102F0] =	vst v7  }
0x24: {  	[tilespmem:s20+$0x10280] =	vst v0  }
0x25: {  	[tilespmem:s20+$0x10290] =	vst v1  }
.Ltmp0:
0x26: {  	[tilespmem:s20+$0x102A0] =	vst v2;
	(pc) =	sbr.rel @p0 .LBB2_2-.Ltmp0, $4  }
0x27: {  	[tilespmem:s20+$0x102B0] =	vst v3  }
0x28: {  	[tilespmem:s20+$0x102C0] =	vst v4  }
0x29: {  	[tilespmem:s20+$0x102D0] =	vst v5  }
0x2a: {  	[tilespmem:s20+$0x102E0] =	vst v6;
	s20 =	sshra.s32 s21, $0x2;
	s21 =	sadd.s32 $0x200, s21  }
0x2b: {  	[tilespmem:s20+$0x102F0] =	vst v7  }
0x2c: {  	[tilespmem:s20+$0x10280] =	vst v0  }
0x2d: {  	[tilespmem:s20+$0x10290] =	vst v1  }
0x2e: {  	[tilespmem:s20+$0x102A0] =	vst v2  }
0x2f: {  	[tilespmem:s20+$0x102B0] =	vst v3  }
0x30: {  	[tilespmem:s20+$0x102C0] =	vst v4  }
0x31: {  	[tilespmem:s20+$0x102D0] =	vst v5  }
0x32: {  	[tilespmem:s20+$0x102E0] =	vst v6  }
0x33: {  	[hbm4b:s5+s15] =	stream.strided.scatter [tilespmem:s14], [sflag:$0x2], $0x8000, s16, s15, $0x38;
	[tilespmem:$0x18200] =	vst v63  }
0x34: {  	_ = 	snop  }
0x35: {  	[hbm4b:s7+s15] =	stream.strided.scatter [tilespmem:s14], [sflag:$0x2], $0x8000, s16, s15, $0x38;
	[tilespmem:$0x18200] =	vst v63  }
0x36: {  	_ =	swait.ge [sflag:s17], $0x8000  }
0x37: {  	[sflag:s17] =	ssyncset.done $0x0  }
0x38: {  	[sflag:s17] =	ssyncadd.s32 $0xFFFF8000  }
0x39: {  	_ =	swait.ge [sflag:s17], $0x8000  }
0x3a: {  	[sflag:s17] =	ssyncset.done $0x0  }
0x3b: {  	[sflag:s17] =	ssyncadd.s32 $0xFFFF8000  }
0x3c: {  	[hbm4b:s8+s15] =	stream.strided.scatter [tilespmem:s12], [sflag:$0x2], $0x10000, s16, s15, $0x38;
	[tilespmem:$0x18200] =	vst v63  }
0x3d: {  	_ =	swait.ge [sflag:s18], $0x8000  }
0x3e: {  	[sflag:s18] =	ssyncset.done $0x0  }
0x3f: {  	s19 =	sadd.s32 $0x1, s19;
	[sflag:s18] =	ssyncadd.s32 $0xFFFF8000  }
0x40: {  	p0 =	sne.s32 s19, s9;
	_ =	swait.ge [sflag:s18], $0x8000  }
.Ltmp1:
0x41: {  	[sflag:s18] =	ssyncset.done $0x0;
	(pc) =	sbr.rel @p0 .LBB2_1-.Ltmp1, $4  }
0x42: {  	[sflag:s18] =	ssyncadd.s32 $0xFFFF8000  }
0x43: {  	_ =	swait.ge [sflag:s18], $0x10000  }
0x44: {  	[sflag:s18] =	ssyncset.done $0x0  }
0x45: {  	[sflag:s18] =	ssyncadd.s32 $0xFFFF0000  }
0x46: {  	_ =	sfence.sel $0x180000  }
0x47: {  	[bflag:$0x0] =	sbarrier.arrive $0xFFFF  }
0x48: {  	p0 =	sne.s32 s2, $0x0;
	_ =	strace $0x90000047  }
0x49: {  	s0 =	sadd.s32 @!p0 $0x100000, s0;
	[bflag:$0x2] =	sbarrier.arrive $0xFFFF  }
0x4a: {  	[sflag:s0] =	ssyncadd.tile.s32 @!p0 $0x1;
	_ =	shalt  }
.Lfunc_end2:
_tile_overlayer_lowered:
.L_overlay_start_2:
0x4b: {  	(tag) =	ssettag $0x2  }
0x4c: {  	s0 =	rddreg [dreg:$0x0];
	s2 =	stileid.u32  }
0x4d: {  	s1 =	rddreg [dreg:$0x1];
	p0 =	sne.s32 s2, $0x0  }
0x4e: {  	s3 =	rddreg [dreg:$0x2];
	[bflag:$0x3] =	sbarrier.arrive $0xFFFF;
	s2 =	simm.s32 @!p0 $0x1C03  }
0x4f: {  	[timem:s3], [sflag:s2] =	dma.local @!p0 [hbm:s0], s1  }
0x50: {  	s0 =	simm.s32 @!p0 $0x3  }
0x51: {  	_ =	swait.ge @!p0 [sflag:s0], s1  }
0x52: {  	s1 =	ssub.s32 @!p0 $0x0, s1;
	[sflag:s0] =	ssyncset.done @!p0 $0x0  }
0x53: {  	[sflag:s0] =	ssyncadd.s32 @!p0 s1  }
0x54: {  	[bflag:$0x3] =	sbarrier.arrive $0xFFFF  }
0x55: {  	_ =	shalt  }

</sc_bundles>
